<compile_context>
chip_gen: v7x
topology: tpu7x:2x2x1
jax: 0.10.2.dev20260603
libtpu: 0.0.44.dev20260713+nightly
codegen_flags: <defaults>
</compile_context>

<pallas_src>
import functools

import jax
import jax.numpy as jnp
import numpy as np
from jax import lax
from jax.experimental import pallas as pl
from jax.experimental.pallas import tpu as pltpu
from jax.experimental.pallas import tpu_sc as plsc

N = 10000
E = 320000
F = 128
H = 128

NC = 2
NS = 16
NW = NC * NS
EPT = E // NW
C = 80
NCH = EPT // C
NBUF = 3
LOOKAHEAD = 2
NOUT = NCH // NBUF
NREM = NCH - NOUT * NBUF

RPT = 632
RPT_LAST = N - (NS - 1) * RPT

_LOG2 = float(np.log(2.0))


def _sc_segment_sum(e, idx, zrows):
    mesh = plsc.VectorSubcoreMesh(core_axis_name="c", subcore_axis_name="s")

    @functools.partial(
        pl.kernel,
        mesh=mesh,
        out_type=jax.ShapeDtypeStruct((NC, N, F), jnp.float32),
        scratch_types=[
            pltpu.VMEM_SHARED((N, F), jnp.float32),
            pltpu.VMEM((NCH, C), jnp.int32),
            [pltpu.VMEM((C, F), jnp.float32) for _ in range(NBUF)],
            [pltpu.SemaphoreType.DMA for _ in range(NBUF)],
        ],
    )
    def seg_sum(e_hbm, idx_hbm, z_hbm, out_hbm, acc, ibuf, ebufs, lsems):
        c = lax.axis_index("c")
        s = lax.axis_index("s")
        wid = s * NC + c
        ebase = wid * EPT

        pltpu.sync_copy(idx_hbm.at[wid], ibuf)

        off = pl.multiple_of(s * RPT, 8)

        @pl.when(s < NS - 1)
        def _():
            pltpu.sync_copy(z_hbm, acc.at[pl.ds(off, RPT)])

        @pl.when(s == NS - 1)
        def _():
            pltpu.sync_copy(
                z_hbm.at[pl.ds(0, RPT_LAST)], acc.at[pl.ds(off, RPT_LAST)]
            )

        def fire_load(j, b):
            pltpu.async_copy(
                e_hbm.at[pl.ds(ebase + j * C, C)], ebufs[b], lsems[b]
            )

        def wait_load(j, b):
            pltpu.make_async_copy(
                e_hbm.at[pl.ds(ebase + j * C, C)], ebufs[b], lsems[b]
            ).wait()

        for b in range(LOOKAHEAD):
            fire_load(b, b)

        plsc.subcore_barrier()

        def process_chunk(j, b, may_prefetch):
            wait_load(j, b)
            if may_prefetch:
                @pl.when(j + LOOKAHEAD < NCH)
                def _():
                    fire_load(j + LOOKAHEAD, (b + LOOKAHEAD) % NBUF)
            pltpu.sync_copy(ebufs[b], acc.at[ibuf.at[j]], add=True)

        def body(g, carry):
            for b in range(NBUF):
                process_chunk(g * NBUF + b, b, True)
            return carry

        lax.fori_loop(0, NOUT, body, 0)
        for r in range(NREM):
            j = NOUT * NBUF + r
            process_chunk(j, j % NBUF, j + LOOKAHEAD < NCH)

        plsc.subcore_barrier()

        @pl.when(s < NS - 1)
        def _():
            pltpu.sync_copy(
                acc.at[pl.ds(off, RPT)], out_hbm.at[c, pl.ds(off, RPT)]
            )

        @pl.when(s == NS - 1)
        def _():
            pltpu.sync_copy(
                acc.at[pl.ds(off, RPT_LAST)],
                out_hbm.at[c, pl.ds(off, RPT_LAST)],
            )

    return seg_sum(e, idx, zrows)


def _mlp(p, v, w1, b1r, w2, b2r):
    bn = 1000

    def body(p_ref, v_ref, w1_ref, b1_ref, w2_ref, b2_ref, o_ref):
        ssum = p_ref[0] + p_ref[1]
        h = lax.dot_general(
            ssum, w1_ref[...], (((1,), (1,)), ((), ())),
            preferred_element_type=jnp.float32,
        )
        h = h + b1_ref[...]
        sp = jnp.maximum(h, 0.0) + jnp.log1p(jnp.exp(-jnp.abs(h))) - _LOG2
        o = lax.dot_general(
            sp, w2_ref[...], (((1,), (1,)), ((), ())),
            preferred_element_type=jnp.float32,
        )
        o_ref[...] = o + b2_ref[...] + v_ref[...]

    return pl.pallas_call(
        body,
        grid=(N // bn,),
        in_specs=[
            pl.BlockSpec((NC, bn, H), lambda i: (0, i, 0)),
            pl.BlockSpec((bn, H), lambda i: (i, 0)),
            pl.BlockSpec((H, F), lambda i: (0, 0)),
            pl.BlockSpec((1, H), lambda i: (0, 0)),
            pl.BlockSpec((H, H), lambda i: (0, 0)),
            pl.BlockSpec((1, H), lambda i: (0, 0)),
        ],
        out_specs=pl.BlockSpec((bn, H), lambda i: (i, 0)),
        out_shape=jax.ShapeDtypeStruct((N, H), jnp.float32),
    )(p, v, w1, b1r, w2, b2r)


def kernel(v, e, edge_index, W1, b1, W2, b2):
    idx = edge_index[1].reshape(NW, NCH, C)
    zrows = jnp.zeros((RPT, F), jnp.float32)
    partials = _sc_segment_sum(e, idx, zrows)
    return _mlp(
        partials,
        v,
        W1,
        b1.reshape(1, H),
        W2,
        b2.reshape(1, H),
    )

# --- scband reference (transcript-rebuilt; emitter-appended) ---
"""Pipeline reference for scband-update-v-38397007626971 (READ-ONLY COPY).

The authoritative reference and input builder live on the scoring server;
editing this copy changes nothing except your own understanding.
"""

import jax, jax.numpy as jnp
import numpy as np

N = 10000
E = 320000
F = 128  # var_effective_patch_dim * var_num_patches = 32*4
H = 128  # hidden_channels

def _xavier(key, shape):
    fan_out, fan_in = shape
    limit = float(np.sqrt(6.0 / (fan_in + fan_out)))
    return jax.random.uniform(key, shape, dtype=jnp.float32, minval=-limit, maxval=limit)

def setup_inputs(seed: int = 0) -> dict:
    key = jax.random.key(seed)
    k1, k2, k3, k4, k5 = jax.random.split(key, 5)
    v = jax.random.normal(k1, (N, H), dtype=jnp.float32)
    e = jax.random.normal(k2, (E, F), dtype=jnp.float32)
    edge_index = jax.random.randint(k3, (2, E), 0, N, dtype=jnp.int32)
    W1 = _xavier(k4, (H, F))
    b1 = jnp.zeros((H,), dtype=jnp.float32)
    W2 = _xavier(k5, (H, H))
    b2 = jnp.zeros((H,), dtype=jnp.float32)
    return {"v": v, "e": e, "edge_index": edge_index, "W1": W1, "b1": b1, "W2": W2, "b2": b2}

def reference(v, e, edge_index, W1, b1, W2, b2):
    # _, i = edge_index
    i = edge_index[1]
    # scatter-add of edge features e into destination nodes
    out = jax.ops.segment_sum(e, i, num_segments=v.shape[0])
    # lin1
    out = out @ W1.T + b1
    # ShiftedSoftplus
    out = jax.nn.softplus(out) - jnp.log(2.0)
    # lin2
    out = out @ W2.T + b2
    return v + out

if __name__ == "__main__":
    import jax
    _d = setup_inputs()
    print(jax.jit(kernel)(*tuple(_d.values())))

</pallas_src>

<mosaic_0001>
#map = affine_map<(d0, d1) -> (0, 0)>
#map1 = affine_map<(d0, d1) -> (0, 0, 0)>
module attributes {stable_mosaic.version = 14 : i64} {
  func.func @seg_sum(%arg0: i32, %arg1: i32, %arg2: memref<320000x128xf32, #tpu.memory_space<hbm>>, %arg3: memref<32x125x80xi32, #tpu.memory_space<hbm>>, %arg4: memref<632x128xf32, #tpu.memory_space<hbm>>, %arg5: memref<2x10000x128xf32, #tpu.memory_space<hbm>>, %arg6: memref<10000x128xf32, #tpu.memory_space<vmem_shared>>, %arg7: memref<125x80xi32, #tpu.memory_space<vmem>>, %arg8: memref<80x128xf32, #tpu.memory_space<vmem>>, %arg9: memref<80x128xf32, #tpu.memory_space<vmem>>, %arg10: memref<80x128xf32, #tpu.memory_space<vmem>>, %arg11: memref<!tpu.dma_semaphore, #tpu.memory_space<semaphore_mem>>, %arg12: memref<!tpu.dma_semaphore, #tpu.memory_space<semaphore_mem>>, %arg13: memref<!tpu.dma_semaphore, #tpu.memory_space<semaphore_mem>>) attributes {dimension_semantics = [#tpu.dimension_semantics<core_parallel>, #tpu.dimension_semantics<subcore_parallel>], iteration_bounds = array<i64: 2, 16>, scalar_prefetch = 0 : i64, scratch_operands = 8 : i64, tpu.core_type = #tpu.core_type<sc_vector_subcore>, window_params = [{transform_indices = #map}, {transform_indices = #map1}, {transform_indices = #map}, {transform_indices = #map1}]} {
    %mul3A = arith.constant 2 : i32
    %mul3A_0 = arith.muli %arg1, %mul3A : i32
    %add3A = arith.addi %mul3A_0, %arg0 : i32
    %mul3A_1 = arith.constant 10000 : i32
    %mul3A_2 = arith.muli %add3A, %mul3A_1 : i32
    "tpu.region"() ({
      %run_scoped3A_50 = tpu.sem_alloc : memref<!tpu.dma_semaphore, #tpu.memory_space<semaphore_mem>>
      %dma_start3A_51 = arith.constant 0 : i32
      %dma_start3A_52 = arith.constant 0 : i32
      %dma_start3A_53 = tpu.memref_slice %arg3[%add3A, %dma_start3A_51, %dma_start3A_52] : memref<32x125x80xi32, #tpu.memory_space<hbm>> -> memref<1x125x80xi32, #tpu.memory_space<hbm>>
      %dma_start3A_54 = tpu.memref_squeeze %dma_start3A_53 : memref<1x125x80xi32, #tpu.memory_space<hbm>> -> memref<125x80xi32, #tpu.memory_space<hbm>>
      %dma_start3A_55 = arith.constant 0 : i32
      %dma_start3A_56 = arith.constant 0 : i32
      %dma_start3A_57 = tpu.memref_slice %arg3[%add3A, %dma_start3A_55, %dma_start3A_56] : memref<32x125x80xi32, #tpu.memory_space<hbm>> -> memref<1x125x80xi32, #tpu.memory_space<hbm>>
      %dma_start3A_58 = tpu.memref_squeeze %dma_start3A_57 : memref<1x125x80xi32, #tpu.memory_space<hbm>> -> memref<125x80xi32, #tpu.memory_space<hbm>>
      tpu.enqueue_dma source(%dma_start3A_58 : memref<125x80xi32, #tpu.memory_space<hbm>>) target(%arg7 : memref<125x80xi32, #tpu.memory_space<vmem>>) target_semaphore(%run_scoped3A_50 : memref<!tpu.dma_semaphore, #tpu.memory_space<semaphore_mem>>)
      %dma_wait3A_59 = arith.constant 0 : i32
      %dma_wait3A_60 = arith.constant 0 : i32
      %dma_wait3A_61 = tpu.memref_slice %arg3[%add3A, %dma_wait3A_59, %dma_wait3A_60] : memref<32x125x80xi32, #tpu.memory_space<hbm>> -> memref<1x125x80xi32, #tpu.memory_space<hbm>>
      %dma_wait3A_62 = tpu.memref_squeeze %dma_wait3A_61 : memref<1x125x80xi32, #tpu.memory_space<hbm>> -> memref<125x80xi32, #tpu.memory_space<hbm>>
      %dma_wait3A_63 = arith.constant 0 : i32
      %dma_wait3A_64 = arith.constant 0 : i32
      %dma_wait3A_65 = tpu.memref_slice %arg3[%add3A, %dma_wait3A_63, %dma_wait3A_64] : memref<32x125x80xi32, #tpu.memory_space<hbm>> -> memref<1x125x80xi32, #tpu.memory_space<hbm>>
      %dma_wait3A_66 = tpu.memref_squeeze %dma_wait3A_65 : memref<1x125x80xi32, #tpu.memory_space<hbm>> -> memref<125x80xi32, #tpu.memory_space<hbm>>
      tpu.wait_dma2 semaphore(%run_scoped3A_50 : memref<!tpu.dma_semaphore, #tpu.memory_space<semaphore_mem>>) src(%dma_wait3A_66 : memref<125x80xi32, #tpu.memory_space<hbm>>) dst(%arg7 : memref<125x80xi32, #tpu.memory_space<vmem>>)
      tpu.yield
    }) : () -> ()
    %mul3A_3 = arith.constant 632 : i32
    %mul3A_4 = arith.muli %arg1, %mul3A_3 : i32
    %multiple_of3A = tpu.assume_multiple %mul3A_4, 8 : i32
    %lt3A = arith.constant 15 : i32
    %lt3A_5 = arith.cmpi slt, %arg1, %lt3A : i32
    %convert_element_type3A = arith.extui %lt3A_5 : i1 to i32
    %cond3A = arith.constant 0 : i32
    %cond3A_6 = arith.cmpi ne, %convert_element_type3A, %cond3A : i32
    scf.if %cond3A_6 {
      "tpu.region"() ({
        %run_scoped3A_50 = tpu.sem_alloc : memref<!tpu.dma_semaphore, #tpu.memory_space<semaphore_mem>>
        %dma_start3A_51 = arith.constant 0 : i32
        %dma_start3A_52 = tpu.memref_slice %arg6[%multiple_of3A, %dma_start3A_51] : memref<10000x128xf32, #tpu.memory_space<vmem_shared>> -> memref<632x128xf32, #tpu.memory_space<vmem_shared>>
        tpu.enqueue_dma source(%arg4 : memref<632x128xf32, #tpu.memory_space<hbm>>) target(%dma_start3A_52 : memref<632x128xf32, #tpu.memory_space<vmem_shared>>) target_semaphore(%run_scoped3A_50 : memref<!tpu.dma_semaphore, #tpu.memory_space<semaphore_mem>>)
        %dma_wait3A_53 = arith.constant 0 : i32
        %dma_wait3A_54 = tpu.memref_slice %arg6[%multiple_of3A, %dma_wait3A_53] : memref<10000x128xf32, #tpu.memory_space<vmem_shared>> -> memref<632x128xf32, #tpu.memory_space<vmem_shared>>
        tpu.wait_dma2 semaphore(%run_scoped3A_50 : memref<!tpu.dma_semaphore, #tpu.memory_space<semaphore_mem>>) src(%arg4 : memref<632x128xf32, #tpu.memory_space<hbm>>) dst(%dma_wait3A_54 : memref<632x128xf32, #tpu.memory_space<vmem_shared>>)
        tpu.yield
      }) : () -> ()
    } else {
    }
    %eq3A = arith.constant 15 : i32
    %eq3A_7 = arith.cmpi eq, %arg1, %eq3A : i32
    %convert_element_type3A_8 = arith.extui %eq3A_7 : i1 to i32
    %cond3A_9 = arith.constant 0 : i32
    %cond3A_10 = arith.cmpi ne, %convert_element_type3A_8, %cond3A_9 : i32
    scf.if %cond3A_10 {
      "tpu.region"() ({
        %run_scoped3A_50 = tpu.sem_alloc : memref<!tpu.dma_semaphore, #tpu.memory_space<semaphore_mem>>
        %dma_start3A_51 = arith.constant 0 : i32
        %dma_start3A_52 = tpu.memref_slice %arg6[%multiple_of3A, %dma_start3A_51] : memref<10000x128xf32, #tpu.memory_space<vmem_shared>> -> memref<520x128xf32, #tpu.memory_space<vmem_shared>>
        %dma_start3A_53 = arith.constant 0 : i32
        %dma_start3A_54 = arith.constant 0 : i32
        %dma_start3A_55 = tpu.memref_slice %arg4[%dma_start3A_53, %dma_start3A_54] : memref<632x128xf32, #tpu.memory_space<hbm>> -> memref<520x128xf32, #tpu.memory_space<hbm>>
        tpu.enqueue_dma source(%dma_start3A_55 : memref<520x128xf32, #tpu.memory_space<hbm>>) target(%dma_start3A_52 : memref<520x128xf32, #tpu.memory_space<vmem_shared>>) target_semaphore(%run_scoped3A_50 : memref<!tpu.dma_semaphore, #tpu.memory_space<semaphore_mem>>)
        %dma_wait3A_56 = arith.constant 0 : i32
        %dma_wait3A_57 = tpu.memref_slice %arg6[%multiple_of3A, %dma_wait3A_56] : memref<10000x128xf32, #tpu.memory_space<vmem_shared>> -> memref<520x128xf32, #tpu.memory_space<vmem_shared>>
        %dma_wait3A_58 = arith.constant 0 : i32
        %dma_wait3A_59 = arith.constant 0 : i32
        %dma_wait3A_60 = tpu.memref_slice %arg4[%dma_wait3A_58, %dma_wait3A_59] : memref<632x128xf32, #tpu.memory_space<hbm>> -> memref<520x128xf32, #tpu.memory_space<hbm>>
        tpu.wait_dma2 semaphore(%run_scoped3A_50 : memref<!tpu.dma_semaphore, #tpu.memory_space<semaphore_mem>>) src(%dma_wait3A_60 : memref<520x128xf32, #tpu.memory_space<hbm>>) dst(%dma_wait3A_57 : memref<520x128xf32, #tpu.memory_space<vmem_shared>>)
        tpu.yield
      }) : () -> ()
    } else {
    }
    %add3A_11 = arith.constant 0 : i32
    %add3A_12 = arith.addi %mul3A_2, %add3A_11 : i32
    %dma_start3A = arith.constant 0 : i32
    %dma_start3A_13 = tpu.memref_slice %arg2[%add3A_12, %dma_start3A] : memref<320000x128xf32, #tpu.memory_space<hbm>> -> memref<80x128xf32, #tpu.memory_space<hbm>>
    %dma_start3A_14 = arith.constant 0 : i32
    %dma_start3A_15 = tpu.memref_slice %arg2[%add3A_12, %dma_start3A_14] : memref<320000x128xf32, #tpu.memory_space<hbm>> -> memref<80x128xf32, #tpu.memory_space<hbm>>
    tpu.enqueue_dma source(%dma_start3A_15 : memref<80x128xf32, #tpu.memory_space<hbm>>) target(%arg8 : memref<80x128xf32, #tpu.memory_space<vmem>>) target_semaphore(%arg11 : memref<!tpu.dma_semaphore, #tpu.memory_space<semaphore_mem>>)
    %add3A_16 = arith.constant 80 : i32
    %add3A_17 = arith.addi %mul3A_2, %add3A_16 : i32
    %dma_start3A_18 = arith.constant 0 : i32
    %dma_start3A_19 = tpu.memref_slice %arg2[%add3A_17, %dma_start3A_18] : memref<320000x128xf32, #tpu.memory_space<hbm>> -> memref<80x128xf32, #tpu.memory_space<hbm>>
    %dma_start3A_20 = arith.constant 0 : i32
    %dma_start3A_21 = tpu.memref_slice %arg2[%add3A_17, %dma_start3A_20] : memref<320000x128xf32, #tpu.memory_space<hbm>> -> memref<80x128xf32, #tpu.memory_space<hbm>>
    tpu.enqueue_dma source(%dma_start3A_21 : memref<80x128xf32, #tpu.memory_space<hbm>>) target(%arg9 : memref<80x128xf32, #tpu.memory_space<vmem>>) target_semaphore(%arg12 : memref<!tpu.dma_semaphore, #tpu.memory_space<semaphore_mem>>)
    %barrier3A = arith.constant 0 : index
    tpu.barrier barrier_id(%barrier3A)
    %scan3A = arith.constant 0 : i32
    %scan3A_22 = arith.constant 0 : i32
    %scan3A_23 = arith.constant 41 : i32
    %scan3A_24 = arith.addi %scan3A_22, %scan3A_23 : i32
    %scan3A_25 = arith.constant 1 : i32
    scf.for %scan3A_50 = %scan3A_22 to %scan3A_24 step %scan3A_25  : i32 {
      %mul3A_51 = arith.constant 3 : i32
      %mul3A_52 = arith.muli %scan3A_50, %mul3A_51 : i32
      %add3A_53 = arith.constant 0 : i32
      %add3A_54 = arith.addi %mul3A_52, %add3A_53 : i32
      %mul3A_55 = arith.constant 80 : i32
      %mul3A_56 = arith.muli %add3A_54, %mul3A_55 : i32
      %add3A_57 = arith.addi %mul3A_2, %mul3A_56 : i32
      %dma_wait3A_58 = arith.constant 0 : i32
      %dma_wait3A_59 = tpu.memref_slice %arg2[%add3A_57, %dma_wait3A_58] : memref<320000x128xf32, #tpu.memory_space<hbm>> -> memref<80x128xf32, #tpu.memory_space<hbm>>
      %dma_wait3A_60 = arith.constant 0 : i32
      %dma_wait3A_61 = tpu.memref_slice %arg2[%add3A_57, %dma_wait3A_60] : memref<320000x128xf32, #tpu.memory_space<hbm>> -> memref<80x128xf32, #tpu.memory_space<hbm>>
      tpu.wait_dma2 semaphore(%arg11 : memref<!tpu.dma_semaphore, #tpu.memory_space<semaphore_mem>>) src(%dma_wait3A_61 : memref<80x128xf32, #tpu.memory_space<hbm>>) dst(%arg8 : memref<80x128xf32, #tpu.memory_space<vmem>>)
      %add3A_62 = arith.constant 2 : i32
      %add3A_63 = arith.addi %add3A_54, %add3A_62 : i32
      %lt3A_64 = arith.constant 125 : i32
      %lt3A_65 = arith.cmpi slt, %add3A_63, %lt3A_64 : i32
      %convert_element_type3A_66 = arith.extui %lt3A_65 : i1 to i32
      %cond3A_67 = arith.constant 0 : i32
      %cond3A_68 = arith.cmpi ne, %convert_element_type3A_66, %cond3A_67 : i32
      scf.if %cond3A_68 {
        %add3A_105 = arith.constant 2 : i32
        %add3A_106 = arith.addi %add3A_54, %add3A_105 : i32
        %mul3A_107 = arith.constant 80 : i32
        %mul3A_108 = arith.muli %add3A_106, %mul3A_107 : i32
        %add3A_109 = arith.addi %mul3A_2, %mul3A_108 : i32
        %dma_start3A_110 = arith.constant 0 : i32
        %dma_start3A_111 = tpu.memref_slice %arg2[%add3A_109, %dma_start3A_110] : memref<320000x128xf32, #tpu.memory_space<hbm>> -> memref<80x128xf32, #tpu.memory_space<hbm>>
        %dma_start3A_112 = arith.constant 0 : i32
        %dma_start3A_113 = tpu.memref_slice %arg2[%add3A_109, %dma_start3A_112] : memref<320000x128xf32, #tpu.memory_space<hbm>> -> memref<80x128xf32, #tpu.memory_space<hbm>>
        tpu.enqueue_dma source(%dma_start3A_113 : memref<80x128xf32, #tpu.memory_space<hbm>>) target(%arg10 : memref<80x128xf32, #tpu.memory_space<vmem>>) target_semaphore(%arg13 : memref<!tpu.dma_semaphore, #tpu.memory_space<semaphore_mem>>)
      } else {
      }
      "tpu.region"() ({
        %run_scoped3A_105 = tpu.sem_alloc : memref<!tpu.dma_semaphore, #tpu.memory_space<semaphore_mem>>
        %dma_start3A_106 = arith.constant 0 : i32
        %dma_start3A_107 = tpu.memref_slice %arg7[%add3A_54, %dma_start3A_106] : memref<125x80xi32, #tpu.memory_space<vmem>> -> memref<1x80xi32, #tpu.memory_space<vmem>>
        %dma_start3A_108 = tpu.memref_squeeze %dma_start3A_107 : memref<1x80xi32, #tpu.memory_space<vmem>> -> memref<80xi32, #tpu.memory_space<vmem>>
        %dma_start3A_109 = arith.constant 0 : i32
        %dma_start3A_110 = arith.constant 0 : i32
        %dma_start3A_111 = tpu.memref_slice %arg6[%dma_start3A_109, %dma_start3A_110] : memref<10000x128xf32, #tpu.memory_space<vmem_shared>> -> memref<10000x128xf32, #tpu.memory_space<vmem_shared>>
        tpu.enqueue_indirect_dma source(%arg8 : memref<80x128xf32, #tpu.memory_space<vmem>>) target(%dma_start3A_111 : memref<10000x128xf32, #tpu.memory_space<vmem_shared>>) offsets(%dma_start3A_108 : memref<80xi32, #tpu.memory_space<vmem>>) semaphore(%run_scoped3A_105 : memref<!tpu.dma_semaphore, #tpu.memory_space<semaphore_mem>>) {add = true}
        %dma_wait3A_112 = arith.constant 0 : i32
        %dma_wait3A_113 = tpu.memref_slice %arg7[%add3A_54, %dma_wait3A_112] : memref<125x80xi32, #tpu.memory_space<vmem>> -> memref<1x80xi32, #tpu.memory_space<vmem>>
        %dma_wait3A_114 = tpu.memref_squeeze %dma_wait3A_113 : memref<1x80xi32, #tpu.memory_space<vmem>> -> memref<80xi32, #tpu.memory_space<vmem>>
        %dma_wait3A_115 = arith.constant 0 : i32
        %dma_wait3A_116 = arith.constant 0 : i32
        %dma_wait3A_117 = tpu.memref_slice %arg6[%dma_wait3A_115, %dma_wait3A_116] : memref<10000x128xf32, #tpu.memory_space<vmem_shared>> -> memref<10000x128xf32, #tpu.memory_space<vmem_shared>>
        tpu.wait_indirect_dma semaphore(%run_scoped3A_105 : memref<!tpu.dma_semaphore, #tpu.memory_space<semaphore_mem>>) src(%arg8 : memref<80x128xf32, #tpu.memory_space<vmem>>) dst(%dma_wait3A_117 : memref<10000x128xf32, #tpu.memory_space<vmem_shared>>)
        tpu.yield
      }) : () -> ()
      %mul3A_69 = arith.constant 3 : i32
      %mul3A_70 = arith.muli %scan3A_50, %mul3A_69 : i32
      %add3A_71 = arith.constant 1 : i32
      %add3A_72 = arith.addi %mul3A_70, %add3A_71 : i32
      %mul3A_73 = arith.constant 80 : i32
      %mul3A_74 = arith.muli %add3A_72, %mul3A_73 : i32
      %add3A_75 = arith.addi %mul3A_2, %mul3A_74 : i32
      %dma_wait3A_76 = arith.constant 0 : i32
      %dma_wait3A_77 = tpu.memref_slice %arg2[%add3A_75, %dma_wait3A_76] : memref<320000x128xf32, #tpu.memory_space<hbm>> -> memref<80x128xf32, #tpu.memory_space<hbm>>
      %dma_wait3A_78 = arith.constant 0 : i32
      %dma_wait3A_79 = tpu.memref_slice %arg2[%add3A_75, %dma_wait3A_78] : memref<320000x128xf32, #tpu.memory_space<hbm>> -> memref<80x128xf32, #tpu.memory_space<hbm>>
      tpu.wait_dma2 semaphore(%arg12 : memref<!tpu.dma_semaphore, #tpu.memory_space<semaphore_mem>>) src(%dma_wait3A_79 : memref<80x128xf32, #tpu.memory_space<hbm>>) dst(%arg9 : memref<80x128xf32, #tpu.memory_space<vmem>>)
      %add3A_80 = arith.constant 2 : i32
      %add3A_81 = arith.addi %add3A_72, %add3A_80 : i32
      %lt3A_82 = arith.constant 125 : i32
      %lt3A_83 = arith.cmpi slt, %add3A_81, %lt3A_82 : i32
      %convert_element_type3A_84 = arith.extui %lt3A_83 : i1 to i32
      %cond3A_85 = arith.constant 0 : i32
      %cond3A_86 = arith.cmpi ne, %convert_element_type3A_84, %cond3A_85 : i32
      scf.if %cond3A_86 {
        %add3A_105 = arith.constant 2 : i32
        %add3A_106 = arith.addi %add3A_72, %add3A_105 : i32
        %mul3A_107 = arith.constant 80 : i32
        %mul3A_108 = arith.muli %add3A_106, %mul3A_107 : i32
        %add3A_109 = arith.addi %mul3A_2, %mul3A_108 : i32
        %dma_start3A_110 = arith.constant 0 : i32
        %dma_start3A_111 = tpu.memref_slice %arg2[%add3A_109, %dma_start3A_110] : memref<320000x128xf32, #tpu.memory_space<hbm>> -> memref<80x128xf32, #tpu.memory_space<hbm>>
        %dma_start3A_112 = arith.constant 0 : i32
        %dma_start3A_113 = tpu.memref_slice %arg2[%add3A_109, %dma_start3A_112] : memref<320000x128xf32, #tpu.memory_space<hbm>> -> memref<80x128xf32, #tpu.memory_space<hbm>>
        tpu.enqueue_dma source(%dma_start3A_113 : memref<80x128xf32, #tpu.memory_space<hbm>>) target(%arg8 : memref<80x128xf32, #tpu.memory_space<vmem>>) target_semaphore(%arg11 : memref<!tpu.dma_semaphore, #tpu.memory_space<semaphore_mem>>)
      } else {
      }
      "tpu.region"() ({
        %run_scoped3A_105 = tpu.sem_alloc : memref<!tpu.dma_semaphore, #tpu.memory_space<semaphore_mem>>
        %dma_start3A_106 = arith.constant 0 : i32
        %dma_start3A_107 = tpu.memref_slice %arg7[%add3A_72, %dma_start3A_106] : memref<125x80xi32, #tpu.memory_space<vmem>> -> memref<1x80xi32, #tpu.memory_space<vmem>>
        %dma_start3A_108 = tpu.memref_squeeze %dma_start3A_107 : memref<1x80xi32, #tpu.memory_space<vmem>> -> memref<80xi32, #tpu.memory_space<vmem>>
        %dma_start3A_109 = arith.constant 0 : i32
        %dma_start3A_110 = arith.constant 0 : i32
        %dma_start3A_111 = tpu.memref_slice %arg6[%dma_start3A_109, %dma_start3A_110] : memref<10000x128xf32, #tpu.memory_space<vmem_shared>> -> memref<10000x128xf32, #tpu.memory_space<vmem_shared>>
        tpu.enqueue_indirect_dma source(%arg9 : memref<80x128xf32, #tpu.memory_space<vmem>>) target(%dma_start3A_111 : memref<10000x128xf32, #tpu.memory_space<vmem_shared>>) offsets(%dma_start3A_108 : memref<80xi32, #tpu.memory_space<vmem>>) semaphore(%run_scoped3A_105 : memref<!tpu.dma_semaphore, #tpu.memory_space<semaphore_mem>>) {add = true}
        %dma_wait3A_112 = arith.constant 0 : i32
        %dma_wait3A_113 = tpu.memref_slice %arg7[%add3A_72, %dma_wait3A_112] : memref<125x80xi32, #tpu.memory_space<vmem>> -> memref<1x80xi32, #tpu.memory_space<vmem>>
        %dma_wait3A_114 = tpu.memref_squeeze %dma_wait3A_113 : memref<1x80xi32, #tpu.memory_space<vmem>> -> memref<80xi32, #tpu.memory_space<vmem>>
        %dma_wait3A_115 = arith.constant 0 : i32
        %dma_wait3A_116 = arith.constant 0 : i32
        %dma_wait3A_117 = tpu.memref_slice %arg6[%dma_wait3A_115, %dma_wait3A_116] : memref<10000x128xf32, #tpu.memory_space<vmem_shared>> -> memref<10000x128xf32, #tpu.memory_space<vmem_shared>>
        tpu.wait_indirect_dma semaphore(%run_scoped3A_105 : memref<!tpu.dma_semaphore, #tpu.memory_space<semaphore_mem>>) src(%arg9 : memref<80x128xf32, #tpu.memory_space<vmem>>) dst(%dma_wait3A_117 : memref<10000x128xf32, #tpu.memory_space<vmem_shared>>)
        tpu.yield
      }) : () -> ()
      %mul3A_87 = arith.constant 3 : i32
      %mul3A_88 = arith.muli %scan3A_50, %mul3A_87 : i32
      %add3A_89 = arith.constant 2 : i32
      %add3A_90 = arith.addi %mul3A_88, %add3A_89 : i32
      %mul3A_91 = arith.constant 80 : i32
      %mul3A_92 = arith.muli %add3A_90, %mul3A_91 : i32
      %add3A_93 = arith.addi %mul3A_2, %mul3A_92 : i32
      %dma_wait3A_94 = arith.constant 0 : i32
      %dma_wait3A_95 = tpu.memref_slice %arg2[%add3A_93, %dma_wait3A_94] : memref<320000x128xf32, #tpu.memory_space<hbm>> -> memref<80x128xf32, #tpu.memory_space<hbm>>
      %dma_wait3A_96 = arith.constant 0 : i32
      %dma_wait3A_97 = tpu.memref_slice %arg2[%add3A_93, %dma_wait3A_96] : memref<320000x128xf32, #tpu.memory_space<hbm>> -> memref<80x128xf32, #tpu.memory_space<hbm>>
      tpu.wait_dma2 semaphore(%arg13 : memref<!tpu.dma_semaphore, #tpu.memory_space<semaphore_mem>>) src(%dma_wait3A_97 : memref<80x128xf32, #tpu.memory_space<hbm>>) dst(%arg10 : memref<80x128xf32, #tpu.memory_space<vmem>>)
      %add3A_98 = arith.constant 2 : i32
      %add3A_99 = arith.addi %add3A_90, %add3A_98 : i32
      %lt3A_100 = arith.constant 125 : i32
      %lt3A_101 = arith.cmpi slt, %add3A_99, %lt3A_100 : i32
      %convert_element_type3A_102 = arith.extui %lt3A_101 : i1 to i32
      %cond3A_103 = arith.constant 0 : i32
      %cond3A_104 = arith.cmpi ne, %convert_element_type3A_102, %cond3A_103 : i32
      scf.if %cond3A_104 {
        %add3A_105 = arith.constant 2 : i32
        %add3A_106 = arith.addi %add3A_90, %add3A_105 : i32
        %mul3A_107 = arith.constant 80 : i32
        %mul3A_108 = arith.muli %add3A_106, %mul3A_107 : i32
        %add3A_109 = arith.addi %mul3A_2, %mul3A_108 : i32
        %dma_start3A_110 = arith.constant 0 : i32
        %dma_start3A_111 = tpu.memref_slice %arg2[%add3A_109, %dma_start3A_110] : memref<320000x128xf32, #tpu.memory_space<hbm>> -> memref<80x128xf32, #tpu.memory_space<hbm>>
        %dma_start3A_112 = arith.constant 0 : i32
        %dma_start3A_113 = tpu.memref_slice %arg2[%add3A_109, %dma_start3A_112] : memref<320000x128xf32, #tpu.memory_space<hbm>> -> memref<80x128xf32, #tpu.memory_space<hbm>>
        tpu.enqueue_dma source(%dma_start3A_113 : memref<80x128xf32, #tpu.memory_space<hbm>>) target(%arg9 : memref<80x128xf32, #tpu.memory_space<vmem>>) target_semaphore(%arg12 : memref<!tpu.dma_semaphore, #tpu.memory_space<semaphore_mem>>)
      } else {
      }
      "tpu.region"() ({
        %run_scoped3A_105 = tpu.sem_alloc : memref<!tpu.dma_semaphore, #tpu.memory_space<semaphore_mem>>
        %dma_start3A_106 = arith.constant 0 : i32
        %dma_start3A_107 = tpu.memref_slice %arg7[%add3A_90, %dma_start3A_106] : memref<125x80xi32, #tpu.memory_space<vmem>> -> memref<1x80xi32, #tpu.memory_space<vmem>>
        %dma_start3A_108 = tpu.memref_squeeze %dma_start3A_107 : memref<1x80xi32, #tpu.memory_space<vmem>> -> memref<80xi32, #tpu.memory_space<vmem>>
        %dma_start3A_109 = arith.constant 0 : i32
        %dma_start3A_110 = arith.constant 0 : i32
        %dma_start3A_111 = tpu.memref_slice %arg6[%dma_start3A_109, %dma_start3A_110] : memref<10000x128xf32, #tpu.memory_space<vmem_shared>> -> memref<10000x128xf32, #tpu.memory_space<vmem_shared>>
        tpu.enqueue_indirect_dma source(%arg10 : memref<80x128xf32, #tpu.memory_space<vmem>>) target(%dma_start3A_111 : memref<10000x128xf32, #tpu.memory_space<vmem_shared>>) offsets(%dma_start3A_108 : memref<80xi32, #tpu.memory_space<vmem>>) semaphore(%run_scoped3A_105 : memref<!tpu.dma_semaphore, #tpu.memory_space<semaphore_mem>>) {add = true}
        %dma_wait3A_112 = arith.constant 0 : i32
        %dma_wait3A_113 = tpu.memref_slice %arg7[%add3A_90, %dma_wait3A_112] : memref<125x80xi32, #tpu.memory_space<vmem>> -> memref<1x80xi32, #tpu.memory_space<vmem>>
        %dma_wait3A_114 = tpu.memref_squeeze %dma_wait3A_113 : memref<1x80xi32, #tpu.memory_space<vmem>> -> memref<80xi32, #tpu.memory_space<vmem>>
        %dma_wait3A_115 = arith.constant 0 : i32
        %dma_wait3A_116 = arith.constant 0 : i32
        %dma_wait3A_117 = tpu.memref_slice %arg6[%dma_wait3A_115, %dma_wait3A_116] : memref<10000x128xf32, #tpu.memory_space<vmem_shared>> -> memref<10000x128xf32, #tpu.memory_space<vmem_shared>>
        tpu.wait_indirect_dma semaphore(%run_scoped3A_105 : memref<!tpu.dma_semaphore, #tpu.memory_space<semaphore_mem>>) src(%arg10 : memref<80x128xf32, #tpu.memory_space<vmem>>) dst(%dma_wait3A_117 : memref<10000x128xf32, #tpu.memory_space<vmem_shared>>)
        tpu.yield
      }) : () -> ()
    }
    %scan3A_26 = arith.constant 41 : i32
    %add3A_27 = arith.constant 9840 : i32
    %add3A_28 = arith.addi %mul3A_2, %add3A_27 : i32
    %dma_wait3A = arith.constant 0 : i32
    %dma_wait3A_29 = tpu.memref_slice %arg2[%add3A_28, %dma_wait3A] : memref<320000x128xf32, #tpu.memory_space<hbm>> -> memref<80x128xf32, #tpu.memory_space<hbm>>
    %dma_wait3A_30 = arith.constant 0 : i32
    %dma_wait3A_31 = tpu.memref_slice %arg2[%add3A_28, %dma_wait3A_30] : memref<320000x128xf32, #tpu.memory_space<hbm>> -> memref<80x128xf32, #tpu.memory_space<hbm>>
    tpu.wait_dma2 semaphore(%arg11 : memref<!tpu.dma_semaphore, #tpu.memory_space<semaphore_mem>>) src(%dma_wait3A_31 : memref<80x128xf32, #tpu.memory_space<hbm>>) dst(%arg8 : memref<80x128xf32, #tpu.memory_space<vmem>>)
    %run_scoped3A = arith.constant 123 : i32
    "tpu.region"() ({
      %run_scoped3A_50 = tpu.sem_alloc : memref<!tpu.dma_semaphore, #tpu.memory_space<semaphore_mem>>
      %dma_start3A_51 = arith.constant 0 : i32
      %dma_start3A_52 = tpu.memref_slice %arg7[%run_scoped3A, %dma_start3A_51] : memref<125x80xi32, #tpu.memory_space<vmem>> -> memref<1x80xi32, #tpu.memory_space<vmem>>
      %dma_start3A_53 = tpu.memref_squeeze %dma_start3A_52 : memref<1x80xi32, #tpu.memory_space<vmem>> -> memref<80xi32, #tpu.memory_space<vmem>>
      %dma_start3A_54 = arith.constant 0 : i32
      %dma_start3A_55 = arith.constant 0 : i32
      %dma_start3A_56 = tpu.memref_slice %arg6[%dma_start3A_54, %dma_start3A_55] : memref<10000x128xf32, #tpu.memory_space<vmem_shared>> -> memref<10000x128xf32, #tpu.memory_space<vmem_shared>>
      tpu.enqueue_indirect_dma source(%arg8 : memref<80x128xf32, #tpu.memory_space<vmem>>) target(%dma_start3A_56 : memref<10000x128xf32, #tpu.memory_space<vmem_shared>>) offsets(%dma_start3A_53 : memref<80xi32, #tpu.memory_space<vmem>>) semaphore(%run_scoped3A_50 : memref<!tpu.dma_semaphore, #tpu.memory_space<semaphore_mem>>) {add = true}
      %dma_wait3A_57 = arith.constant 0 : i32
      %dma_wait3A_58 = tpu.memref_slice %arg7[%run_scoped3A, %dma_wait3A_57] : memref<125x80xi32, #tpu.memory_space<vmem>> -> memref<1x80xi32, #tpu.memory_space<vmem>>
      %dma_wait3A_59 = tpu.memref_squeeze %dma_wait3A_58 : memref<1x80xi32, #tpu.memory_space<vmem>> -> memref<80xi32, #tpu.memory_space<vmem>>
      %dma_wait3A_60 = arith.constant 0 : i32
      %dma_wait3A_61 = arith.constant 0 : i32
      %dma_wait3A_62 = tpu.memref_slice %arg6[%dma_wait3A_60, %dma_wait3A_61] : memref<10000x128xf32, #tpu.memory_space<vmem_shared>> -> memref<10000x128xf32, #tpu.memory_space<vmem_shared>>
      tpu.wait_indirect_dma semaphore(%run_scoped3A_50 : memref<!tpu.dma_semaphore, #tpu.memory_space<semaphore_mem>>) src(%arg8 : memref<80x128xf32, #tpu.memory_space<vmem>>) dst(%dma_wait3A_62 : memref<10000x128xf32, #tpu.memory_space<vmem_shared>>)
      tpu.yield
    }) : () -> ()
    %add3A_32 = arith.constant 9920 : i32
    %add3A_33 = arith.addi %mul3A_2, %add3A_32 : i32
    %dma_wait3A_34 = arith.constant 0 : i32
    %dma_wait3A_35 = tpu.memref_slice %arg2[%add3A_33, %dma_wait3A_34] : memref<320000x128xf32, #tpu.memory_space<hbm>> -> memref<80x128xf32, #tpu.memory_space<hbm>>
    %dma_wait3A_36 = arith.constant 0 : i32
    %dma_wait3A_37 = tpu.memref_slice %arg2[%add3A_33, %dma_wait3A_36] : memref<320000x128xf32, #tpu.memory_space<hbm>> -> memref<80x128xf32, #tpu.memory_space<hbm>>
    tpu.wait_dma2 semaphore(%arg12 : memref<!tpu.dma_semaphore, #tpu.memory_space<semaphore_mem>>) src(%dma_wait3A_37 : memref<80x128xf32, #tpu.memory_space<hbm>>) dst(%arg9 : memref<80x128xf32, #tpu.memory_space<vmem>>)
    %run_scoped3A_38 = arith.constant 124 : i32
    "tpu.region"() ({
      %run_scoped3A_50 = tpu.sem_alloc : memref<!tpu.dma_semaphore, #tpu.memory_space<semaphore_mem>>
      %dma_start3A_51 = arith.constant 0 : i32
      %dma_start3A_52 = tpu.memref_slice %arg7[%run_scoped3A_38, %dma_start3A_51] : memref<125x80xi32, #tpu.memory_space<vmem>> -> memref<1x80xi32, #tpu.memory_space<vmem>>
      %dma_start3A_53 = tpu.memref_squeeze %dma_start3A_52 : memref<1x80xi32, #tpu.memory_space<vmem>> -> memref<80xi32, #tpu.memory_space<vmem>>
      %dma_start3A_54 = arith.constant 0 : i32
      %dma_start3A_55 = arith.constant 0 : i32
      %dma_start3A_56 = tpu.memref_slice %arg6[%dma_start3A_54, %dma_start3A_55] : memref<10000x128xf32, #tpu.memory_space<vmem_shared>> -> memref<10000x128xf32, #tpu.memory_space<vmem_shared>>
      tpu.enqueue_indirect_dma source(%arg9 : memref<80x128xf32, #tpu.memory_space<vmem>>) target(%dma_start3A_56 : memref<10000x128xf32, #tpu.memory_space<vmem_shared>>) offsets(%dma_start3A_53 : memref<80xi32, #tpu.memory_space<vmem>>) semaphore(%run_scoped3A_50 : memref<!tpu.dma_semaphore, #tpu.memory_space<semaphore_mem>>) {add = true}
      %dma_wait3A_57 = arith.constant 0 : i32
      %dma_wait3A_58 = tpu.memref_slice %arg7[%run_scoped3A_38, %dma_wait3A_57] : memref<125x80xi32, #tpu.memory_space<vmem>> -> memref<1x80xi32, #tpu.memory_space<vmem>>
      %dma_wait3A_59 = tpu.memref_squeeze %dma_wait3A_58 : memref<1x80xi32, #tpu.memory_space<vmem>> -> memref<80xi32, #tpu.memory_space<vmem>>
      %dma_wait3A_60 = arith.constant 0 : i32
      %dma_wait3A_61 = arith.constant 0 : i32
      %dma_wait3A_62 = tpu.memref_slice %arg6[%dma_wait3A_60, %dma_wait3A_61] : memref<10000x128xf32, #tpu.memory_space<vmem_shared>> -> memref<10000x128xf32, #tpu.memory_space<vmem_shared>>
      tpu.wait_indirect_dma semaphore(%run_scoped3A_50 : memref<!tpu.dma_semaphore, #tpu.memory_space<semaphore_mem>>) src(%arg9 : memref<80x128xf32, #tpu.memory_space<vmem>>) dst(%dma_wait3A_62 : memref<10000x128xf32, #tpu.memory_space<vmem_shared>>)
      tpu.yield
    }) : () -> ()
    %barrier3A_39 = arith.constant 0 : index
    tpu.barrier barrier_id(%barrier3A_39)
    %lt3A_40 = arith.constant 15 : i32
    %lt3A_41 = arith.cmpi slt, %arg1, %lt3A_40 : i32
    %convert_element_type3A_42 = arith.extui %lt3A_41 : i1 to i32
    %cond3A_43 = arith.constant 0 : i32
    %cond3A_44 = arith.cmpi ne, %convert_element_type3A_42, %cond3A_43 : i32
    scf.if %cond3A_44 {
      "tpu.region"() ({
        %run_scoped3A_50 = tpu.sem_alloc : memref<!tpu.dma_semaphore, #tpu.memory_space<semaphore_mem>>
        %dma_start3A_51 = arith.constant 0 : i32
        %dma_start3A_52 = tpu.memref_slice %arg5[%arg0, %multiple_of3A, %dma_start3A_51] : memref<2x10000x128xf32, #tpu.memory_space<hbm>> -> memref<1x632x128xf32, #tpu.memory_space<hbm>>
        %dma_start3A_53 = tpu.memref_squeeze %dma_start3A_52 : memref<1x632x128xf32, #tpu.memory_space<hbm>> -> memref<632x128xf32, #tpu.memory_space<hbm>>
        %dma_start3A_54 = arith.constant 0 : i32
        %dma_start3A_55 = tpu.memref_slice %arg6[%multiple_of3A, %dma_start3A_54] : memref<10000x128xf32, #tpu.memory_space<vmem_shared>> -> memref<632x128xf32, #tpu.memory_space<vmem_shared>>
        tpu.enqueue_dma source(%dma_start3A_55 : memref<632x128xf32, #tpu.memory_space<vmem_shared>>) target(%dma_start3A_53 : memref<632x128xf32, #tpu.memory_space<hbm>>) target_semaphore(%run_scoped3A_50 : memref<!tpu.dma_semaphore, #tpu.memory_space<semaphore_mem>>)
        %dma_wait3A_56 = arith.constant 0 : i32
        %dma_wait3A_57 = tpu.memref_slice %arg5[%arg0, %multiple_of3A, %dma_wait3A_56] : memref<2x10000x128xf32, #tpu.memory_space<hbm>> -> memref<1x632x128xf32, #tpu.memory_space<hbm>>
        %dma_wait3A_58 = tpu.memref_squeeze %dma_wait3A_57 : memref<1x632x128xf32, #tpu.memory_space<hbm>> -> memref<632x128xf32, #tpu.memory_space<hbm>>
        %dma_wait3A_59 = arith.constant 0 : i32
        %dma_wait3A_60 = tpu.memref_slice %arg6[%multiple_of3A, %dma_wait3A_59] : memref<10000x128xf32, #tpu.memory_space<vmem_shared>> -> memref<632x128xf32, #tpu.memory_space<vmem_shared>>
        tpu.wait_dma2 semaphore(%run_scoped3A_50 : memref<!tpu.dma_semaphore, #tpu.memory_space<semaphore_mem>>) src(%dma_wait3A_60 : memref<632x128xf32, #tpu.memory_space<vmem_shared>>) dst(%dma_wait3A_58 : memref<632x128xf32, #tpu.memory_space<hbm>>)
        tpu.yield
      }) : () -> ()
    } else {
    }
    %eq3A_45 = arith.constant 15 : i32
    %eq3A_46 = arith.cmpi eq, %arg1, %eq3A_45 : i32
    %convert_element_type3A_47 = arith.extui %eq3A_46 : i1 to i32
    %cond3A_48 = arith.constant 0 : i32
    %cond3A_49 = arith.cmpi ne, %convert_element_type3A_47, %cond3A_48 : i32
    scf.if %cond3A_49 {
      "tpu.region"() ({
        %run_scoped3A_50 = tpu.sem_alloc : memref<!tpu.dma_semaphore, #tpu.memory_space<semaphore_mem>>
        %dma_start3A_51 = arith.constant 0 : i32
        %dma_start3A_52 = tpu.memref_slice %arg5[%arg0, %multiple_of3A, %dma_start3A_51] : memref<2x10000x128xf32, #tpu.memory_space<hbm>> -> memref<1x520x128xf32, #tpu.memory_space<hbm>>
        %dma_start3A_53 = tpu.memref_squeeze %dma_start3A_52 : memref<1x520x128xf32, #tpu.memory_space<hbm>> -> memref<520x128xf32, #tpu.memory_space<hbm>>
        %dma_start3A_54 = arith.constant 0 : i32
        %dma_start3A_55 = tpu.memref_slice %arg6[%multiple_of3A, %dma_start3A_54] : memref<10000x128xf32, #tpu.memory_space<vmem_shared>> -> memref<520x128xf32, #tpu.memory_space<vmem_shared>>
        tpu.enqueue_dma source(%dma_start3A_55 : memref<520x128xf32, #tpu.memory_space<vmem_shared>>) target(%dma_start3A_53 : memref<520x128xf32, #tpu.memory_space<hbm>>) target_semaphore(%run_scoped3A_50 : memref<!tpu.dma_semaphore, #tpu.memory_space<semaphore_mem>>)
        %dma_wait3A_56 = arith.constant 0 : i32
        %dma_wait3A_57 = tpu.memref_slice %arg5[%arg0, %multiple_of3A, %dma_wait3A_56] : memref<2x10000x128xf32, #tpu.memory_space<hbm>> -> memref<1x520x128xf32, #tpu.memory_space<hbm>>
        %dma_wait3A_58 = tpu.memref_squeeze %dma_wait3A_57 : memref<1x520x128xf32, #tpu.memory_space<hbm>> -> memref<520x128xf32, #tpu.memory_space<hbm>>
        %dma_wait3A_59 = arith.constant 0 : i32
        %dma_wait3A_60 = tpu.memref_slice %arg6[%multiple_of3A, %dma_wait3A_59] : memref<10000x128xf32, #tpu.memory_space<vmem_shared>> -> memref<520x128xf32, #tpu.memory_space<vmem_shared>>
        tpu.wait_dma2 semaphore(%run_scoped3A_50 : memref<!tpu.dma_semaphore, #tpu.memory_space<semaphore_mem>>) src(%dma_wait3A_60 : memref<520x128xf32, #tpu.memory_space<vmem_shared>>) dst(%dma_wait3A_58 : memref<520x128xf32, #tpu.memory_space<hbm>>)
        tpu.yield
      }) : () -> ()
    } else {
    }
    return
  }
}

module attributes {stable_mosaic.version = 14 : i64} {
  func.func @body(%arg0: i32, %arg1: memref<2x1000x128xf32, #tpu.memory_space<vmem>>, %arg2: memref<1000x128xf32, #tpu.memory_space<vmem>>, %arg3: memref<128x128xf32, #tpu.memory_space<vmem>>, %arg4: memref<1x128xf32, #tpu.memory_space<vmem>>, %arg5: memref<128x128xf32, #tpu.memory_space<vmem>>, %arg6: memref<1x128xf32, #tpu.memory_space<vmem>>, %arg7: memref<1000x128xf32, #tpu.memory_space<vmem>>) attributes {dimension_semantics = [#tpu.dimension_semantics<arbitrary>], iteration_bounds = array<i64: 10>, scalar_prefetch = 0 : i64, scratch_operands = 0 : i64, tpu.core_type = #tpu.core_type<tc>, window_params = [{transform_indices = @transform_0, window_bounds = array<i64: 2, 1000, 128>}, {transform_indices = @transform_1, window_bounds = array<i64: 1000, 128>}, {pipeline_mode = #tpu.pipeline_mode<synchronous>, transform_indices = @transform_2, window_bounds = array<i64: 128, 128>}, {pipeline_mode = #tpu.pipeline_mode<synchronous>, transform_indices = @transform_3, window_bounds = array<i64: 1, 128>}, {pipeline_mode = #tpu.pipeline_mode<synchronous>, transform_indices = @transform_4, window_bounds = array<i64: 128, 128>}, {pipeline_mode = #tpu.pipeline_mode<synchronous>, transform_indices = @transform_5, window_bounds = array<i64: 1, 128>}, {transform_indices = @transform_6, window_bounds = array<i64: 1000, 128>}]} {
    %get3A = arith.constant 0 : index
    %get3A_0 = arith.constant 0 : index
    %get3A_1 = arith.constant 0 : index
    %get3A_2 = vector.load %arg1[%get3A, %get3A_0, %get3A_1] : memref<2x1000x128xf32, #tpu.memory_space<vmem>>, vector<1x1000x128xf32>
    %get3A_3 = vector.shape_cast %get3A_2 : vector<1x1000x128xf32> to vector<1000x128xf32>
    %get3A_4 = arith.constant 1 : index
    %get3A_5 = arith.constant 0 : index
    %get3A_6 = arith.constant 0 : index
    %get3A_7 = vector.load %arg1[%get3A_4, %get3A_5, %get3A_6] : memref<2x1000x128xf32, #tpu.memory_space<vmem>>, vector<1x1000x128xf32>
    %get3A_8 = vector.shape_cast %get3A_7 : vector<1x1000x128xf32> to vector<1000x128xf32>
    %add3A = arith.addf %get3A_3, %get3A_8 : vector<1000x128xf32>
    %get3A_9 = arith.constant 0 : index
    %get3A_10 = arith.constant 0 : index
    %get3A_11 = vector.load %arg3[%get3A_9, %get3A_10] : memref<128x128xf32, #tpu.memory_space<vmem>>, vector<128x128xf32>
    %dot_general3A = arith.constant dense<0.000000e+00> : vector<1000x128xf32>
    %dot_general3A_12 = tpu.matmul %add3A, %get3A_11, %dot_general3A {dimension_numbers = #tpu.dot_dimension_numbers<[1], [1], [0], [0], [0, 0, 1, 0], [], []>, transpose_lhs_hint = false} : vector<1000x128xf32>, vector<128x128xf32>, vector<1000x128xf32> -> vector<1000x128xf32>
    %get3A_13 = arith.constant 0 : index
    %get3A_14 = arith.constant 0 : index
    %get3A_15 = vector.load %arg4[%get3A_13, %get3A_14] : memref<1x128xf32, #tpu.memory_space<vmem>>, vector<1x128xf32>
    %add3A_16 = vector.broadcast %get3A_15 : vector<1x128xf32> to vector<1000x128xf32>
    %add3A_17 = arith.addf %dot_general3A_12, %add3A_16 : vector<1000x128xf32>
    %max3A = arith.constant 0.000000e+00 : f32
    %max3A_18 = vector.broadcast %max3A : f32 to vector<1000x128xf32>
    %max3A_19 = arith.maximumf %add3A_17, %max3A_18 : vector<1000x128xf32>
    %abs3A = math.absf %add3A_17 : vector<1000x128xf32>
    %neg3A = arith.constant 0.000000e+00 : f32
    %neg3A_20 = vector.broadcast %neg3A : f32 to vector<1000x128xf32>
    %neg3A_21 = arith.subf %neg3A_20, %abs3A : vector<1000x128xf32>
    %exp3A = math.exp %neg3A_21 : vector<1000x128xf32>
    %log1p3A = math.log1p %exp3A : vector<1000x128xf32>
    %add3A_22 = arith.addf %max3A_19, %log1p3A : vector<1000x128xf32>
    %sub3A = arith.constant 0.693147182 : f32
    %sub3A_23 = vector.broadcast %sub3A : f32 to vector<1000x128xf32>
    %sub3A_24 = arith.subf %add3A_22, %sub3A_23 : vector<1000x128xf32>
    %get3A_25 = arith.constant 0 : index
    %get3A_26 = arith.constant 0 : index
    %get3A_27 = vector.load %arg5[%get3A_25, %get3A_26] : memref<128x128xf32, #tpu.memory_space<vmem>>, vector<128x128xf32>
    %dot_general3A_28 = arith.constant dense<0.000000e+00> : vector<1000x128xf32>
    %dot_general3A_29 = tpu.matmul %sub3A_24, %get3A_27, %dot_general3A_28 {dimension_numbers = #tpu.dot_dimension_numbers<[1], [1], [0], [0], [0, 0, 1, 0], [], []>, transpose_lhs_hint = false} : vector<1000x128xf32>, vector<128x128xf32>, vector<1000x128xf32> -> vector<1000x128xf32>
    %get3A_30 = arith.constant 0 : index
    %get3A_31 = arith.constant 0 : index
    %get3A_32 = vector.load %arg6[%get3A_30, %get3A_31] : memref<1x128xf32, #tpu.memory_space<vmem>>, vector<1x128xf32>
    %add3A_33 = vector.broadcast %get3A_32 : vector<1x128xf32> to vector<1000x128xf32>
    %add3A_34 = arith.addf %dot_general3A_29, %add3A_33 : vector<1000x128xf32>
    %get3A_35 = arith.constant 0 : index
    %get3A_36 = arith.constant 0 : index
    %get3A_37 = vector.load %arg2[%get3A_35, %get3A_36] : memref<1000x128xf32, #tpu.memory_space<vmem>>, vector<1000x128xf32>
    %add3A_38 = arith.addf %add3A_34, %get3A_37 : vector<1000x128xf32>
    %swap3A = arith.constant 0 : index
    %swap3A_39 = arith.constant 0 : index
    %swap3A_40 = vector.load %arg7[%swap3A, %swap3A_39] : memref<1000x128xf32, #tpu.memory_space<vmem>>, vector<1000x128xf32>
    tpu.vector_store %arg7[%swap3A, %swap3A_39], %add3A_38 {strides = array<i32>} : memref<1000x128xf32, #tpu.memory_space<vmem>>, vector<1000x128xf32>,
    return
  }
  func.func @transform_0(%arg0: i32) -> (i32, i32, i32) {
    %c0_i32 = arith.constant 0 : i32
    %c0_i32_0 = arith.constant 0 : i32
    %c0_i32_1 = arith.constant 0 : i32
    return %c0_i32, %arg0, %c0_i32_0 : i32, i32, i32
  }
  func.func @transform_1(%arg0: i32) -> (i32, i32) {
    %c0_i32 = arith.constant 0 : i32
    %c0_i32_0 = arith.constant 0 : i32
    return %arg0, %c0_i32 : i32, i32
  }
  func.func @transform_2(%arg0: i32) -> (i32, i32) {
    %c0_i32 = arith.constant 0 : i32
    %c0_i32_0 = arith.constant 0 : i32
    %c0_i32_1 = arith.constant 0 : i32
    return %c0_i32, %c0_i32_0 : i32, i32
  }
  func.func @transform_3(%arg0: i32) -> (i32, i32) {
    %c0_i32 = arith.constant 0 : i32
    %c0_i32_0 = arith.constant 0 : i32
    %c0_i32_1 = arith.constant 0 : i32
    return %c0_i32, %c0_i32_0 : i32, i32
  }
  func.func @transform_4(%arg0: i32) -> (i32, i32) {
    %c0_i32 = arith.constant 0 : i32
    %c0_i32_0 = arith.constant 0 : i32
    %c0_i32_1 = arith.constant 0 : i32
    return %c0_i32, %c0_i32_0 : i32, i32
  }
  func.func @transform_5(%arg0: i32) -> (i32, i32) {
    %c0_i32 = arith.constant 0 : i32
    %c0_i32_0 = arith.constant 0 : i32
    %c0_i32_1 = arith.constant 0 : i32
    return %c0_i32, %c0_i32_0 : i32, i32
  }
  func.func @transform_6(%arg0: i32) -> (i32, i32) {
    %c0_i32 = arith.constant 0 : i32
    %c0_i32_0 = arith.constant 0 : i32
    return %arg0, %c0_i32 : i32, i32
  }
}

</mosaic_0001>

<sc_bundles>
// kernel: kernel.4.cloned.1.call-start
scs
__scs_entry_jumppad:
0x0: {  	(pc) =	sbr.rel $0x88, $3  }
0x1: {  	(tag) =	ssettag $0x0;
	lr =	simm.s32 $0x1  }
0x2: {  	[smem:$0x3F9A] =	sst lr;
	_ =	strace $0xD0000000  }
0x3: {  	_ = 	snop  }
0x4: {  	_ = 	snop  }
0x5: {  	_ = 	snop  }
0x6: {  	_ = 	snop  }
0x7: {  	_ = 	snop  }
__scs_overlays_trampoline_lowered:
0x8: {  	[smem:$0x3FA9] =	sst s0  }
0x9: {  	[smem:$0x3FAA] =	sst s1  }
0xa: {  	[smem:$0x3FAB] =	sst s2  }
0xb: {  	[smem:$0x3FAC] =	sst s3  }
0xc: {  	[smem:$0x3FAD] =	sst s4  }
0xd: {  	[smem:$0x3FAE] =	sst s5  }
0xe: {  	[smem:$0x3FAF] =	sst s6  }
0xf: {  	[smem:$0x3FB0] =	sst s7  }
0x10: {  	[smem:$0x3FB1] =	sst s8  }
0x11: {  	[smem:$0x3FB2] =	sst s9;
	s0 =	simm.s32 @!p0 $0x0  }
0x12: {  	s1 =	sld [smem:$0x3F98];
	s0 =	simm.s32 @p0 $0x1  }
0x13: {  	[smem:$0x3FB3] =	sst s0;
	s0 =	simm.s32 @!p1 $0x0  }
0x14: {  	s2 =	sld [smem:$0x3F97];
	s0 =	simm.s32 @p1 $0x1  }
0x15: {  	[smem:$0x3FB4] =	sst s0;
	s0 =	simm.s32 @!p2 $0x0  }
0x16: {  	s3 =	sld [smem:$0x3FDB];
	s0 =	simm.s32 @p2 $0x1  }
0x17: {  	s4 =	simm.s32 $0x1BF5;
	[smem:$0x3FB6] =	sst s0  }
0x18: {  	s0 =	sld [smem:$0x3F99];
	_ =	swait.ge [sflag:s4], $0x0  }
0x19: {  	s7 =	sld [smem:$0x3F9A]  }
0x1a: {  	s8 =	sadd.s32 $0xFFFFE003, lr  }
0x1b: {  	s9 =	sadd.s32 $0xFFFFFEF7, lr;
	s5 =	simm.s32 $0xFFFFFFFF;
	p2 =	slt.u32 s8, $0xFFFFF086  }
0x1c: {  	p1 =	slt.u32 s9, $0xF7A;
	s5 =	simm.s32 @!p2 $0x0  }
0x1d: {  	s5 =	simm.s32 @p1 $0x1;
	p0 =	seq.s32 s7, s2  }
0x1e: {  	s7 =	smul.u32 @!p0 $0xF7A, s2;
	p2 =	seq.s32 @!p0 s5, $0x0  }
0x1f: {  	s9 =	smul.u32 $0xF7A, s1;
	s8 =	simm.s32 @!p0 $0x1BF5;
	p2 =	por !p2, p0  }
0x20: {  	[sflag:s8] =	ssyncset.s32 @!p0 $0xFFFFF086;
	s6 =	sadd.s32 @!p0 s3, s7;
	s7 =	simm.s32 @!p0 $0x108  }
0x21: {  	s3 =	sadd.s32 s3, s9;
	s6 =	sadd.s32 @!p0 $0x88, s6;
	s7 =	simm.s32 @p2 $0x1082  }
0x22: {  	[simem:s7], [sflag:s8] =	dma.local @!p0 [hbm:s6], $0xF7A  }
0x23: {  	s9 =	sor.u32 $0xD0000000, s2;
	s6 =	simm.s32 $0x108;
	_ =	swait.ge @!p0 [sflag:s8], $0x0  }
0x24: {  	s3 =	sadd.s32 $0x88, s3;
	s6 =	simm.s32 @!p1 $0x1082;
	[sflag:s4] =	ssyncset.s32 $0xFFFFF086  }
0x25: {  	[simem:s6], [sflag:s4] =	dma.local [hbm:s3], $0xF7A  }
0x26: {  	[smem:$0x3F9A] =	sst s1;
	(tag) =	ssettag s2;
	_ =	strace s9  }
0x27: {  	s1 =	sld [smem:$0x3FAA]  }
0x28: {  	s2 =	sld [smem:$0x3FAB]  }
0x29: {  	s4 =	sld [smem:$0x3FAD]  }
0x2a: {  	p0 =	seq.s32 s5, $0x0;
	s5 =	sld [smem:$0x3FAE]  }
0x2b: {  	s6 =	sld [smem:$0x3FAF]  }
0x2c: {  	s7 =	sld [smem:$0x3FB0]  }
0x2d: {  	s3 =	simm.s32 $0x108;
	s8 =	sld [smem:$0x3FB1]  }
0x2e: {  	s3 =	simm.s32 @!p0 $0x1082;
	s9 =	sld [smem:$0x3FB2]  }
0x2f: {  	lr =	sadd.s32 s0, s3;
	s0 =	sld [smem:$0x3FA9]  }
0x30: {  	s3 =	sld [smem:$0x3FAC]  }
0x31: {  	[smem:$0x3FB5] =	sst s10  }
0x32: {  	s10 =	sld [smem:$0x3FB3];
	_ =	sdelay $0x3  }
0x33: {  	p0 =	seq.s32 s10, $0x1;
	s10 =	sld [smem:$0x3FB5];
	_ =	sdelay $0x3  }
0x34: {  	[smem:$0x3FB5] =	sst s10  }
0x35: {  	s10 =	sld [smem:$0x3FB4];
	_ =	sdelay $0x3  }
0x36: {  	p1 =	seq.s32 s10, $0x1;
	s10 =	sld [smem:$0x3FB5];
	_ =	sdelay $0x3  }
0x37: {  	[smem:$0x3FB5] =	sst s10  }
0x38: {  	s10 =	sld [smem:$0x3FB6]  }
0x39: {  	_ = 	snop;
	(pc) =	sbr.ind lr, $3  }
0x3a: {  	_ = 	snop  }
0x3b: {  	_ = 	snop  }
0x3c: {  	p2 =	seq.s32 s10, $0x1;
	s10 =	sld [smem:$0x3FB5]  }
0x3d: {  	_ =	shalt  }
0x3e: {  	_ =	shalt  }
0x3f: {  	_ =	shalt  }
0x40: {  	_ =	shalt  }
0x41: {  	_ =	shalt  }
0x42: {  	_ =	shalt  }
0x43: {  	_ =	shalt  }
0x44: {  	_ =	shalt  }
0x45: {  	_ =	shalt  }
0x46: {  	_ =	shalt  }
0x47: {  	_ =	shalt  }
0x48: {  	_ =	shalt  }
0x49: {  	_ =	shalt  }
0x4a: {  	_ =	shalt  }
0x4b: {  	_ =	shalt  }
0x4c: {  	_ =	shalt  }
0x4d: {  	_ =	shalt  }
0x4e: {  	_ =	shalt  }
0x4f: {  	_ =	shalt  }
0x50: {  	_ =	shalt  }
0x51: {  	_ =	shalt  }
0x52: {  	_ =	shalt  }
0x53: {  	_ =	shalt  }
0x54: {  	_ =	shalt  }
0x55: {  	_ =	shalt  }
0x56: {  	_ =	shalt  }
0x57: {  	_ =	shalt  }
0x58: {  	_ =	shalt  }
0x59: {  	_ =	shalt  }
0x5a: {  	_ =	shalt  }
0x5b: {  	_ =	shalt  }
0x5c: {  	_ =	shalt  }
0x5d: {  	_ =	shalt  }
0x5e: {  	_ =	shalt  }
0x5f: {  	_ =	shalt  }
0x60: {  	_ =	shalt  }
0x61: {  	_ =	shalt  }
0x62: {  	_ =	shalt  }
0x63: {  	_ =	shalt  }
0x64: {  	_ =	shalt  }
0x65: {  	_ =	shalt  }
0x66: {  	_ =	shalt  }
0x67: {  	_ =	shalt  }
0x68: {  	_ =	shalt  }
0x69: {  	_ =	shalt  }
0x6a: {  	_ =	shalt  }
0x6b: {  	_ =	shalt  }
0x6c: {  	_ =	shalt  }
0x6d: {  	_ =	shalt  }
0x6e: {  	_ =	shalt  }
0x6f: {  	_ =	shalt  }
0x70: {  	_ =	shalt  }
0x71: {  	_ =	shalt  }
0x72: {  	_ =	shalt  }
0x73: {  	_ =	shalt  }
0x74: {  	_ =	shalt  }
0x75: {  	_ =	shalt  }
0x76: {  	_ =	shalt  }
0x77: {  	_ =	shalt  }
0x78: {  	_ =	shalt  }
0x79: {  	_ =	shalt  }
0x7a: {  	_ =	shalt  }
0x7b: {  	_ =	shalt  }
0x7c: {  	_ =	shalt  }
0x7d: {  	_ =	shalt  }
0x7e: {  	_ =	shalt  }
0x7f: {  	_ =	shalt  }
0x80: {  	_ =	shalt  }
0x81: {  	_ =	shalt  }
0x82: {  	_ =	shalt  }
0x83: {  	_ =	shalt  }
0x84: {  	_ =	shalt  }
0x85: {  	_ =	shalt  }
0x86: {  	_ =	shalt  }
0x87: {  	_ =	shalt  }
.Lfunc_end0:
.L_simem_size_0:
called_computation_lowered:
.L_overlay_start_0:
0x88: {  	s2 =	sld [smem:$0x3FD9]  }
0x89: {  	s3 =	sld [smem:$0x3FFE];
	_ =	sdelay $0x1  }
0x8a: {  	s1 =	srdreg.scid  }
0x8b: {  	s0 =	sand.u32 $0x1, s1  }
0x8c: {  	s17 =	sshll.u32 s0, $0xA;
	s2 =	sadd.s32 s3, s2  }
0x8d: {  	s2 =	sadd.s32 s2, s17  }
0x8e: {  	[smem:$0x3FC1] =	sst s2  }
0x8f: {  	_ = 	snop  }
0x90: {  	s2 =	sld [smem:$0x3FC8]  }
0x91: {  	s18 =	sld [smem:$0x3FD0];
	(tm) =	ssettm $0x1  }
0x92: {  	s4 =	sld [smem:$0x3FFB];
	_ =	sdelay $0x3  }
0x93: {  	_ =	strace s4  }
0x94: {  	s4 =	sld [smem:$0x3FFC];
	_ =	sdelay $0x3  }
0x95: {  	_ =	strace s4  }
0x96: {  	s4 =	sld [smem:$0x3FFD];
	_ =	sdelay $0x3  }
0x97: {  	_ =	strace s4  }
0x98: {  	_ =	strace $0x8FFFFFFF  }
0x99: {  	s19 =	sld [smem:$0x3FDB];
	_ =	sdelay $0x1  }
0x9a: {  	s5 =	simm.s32 $_scs_section_size  }
0x9b: {  	s6 =	simm.s32 $_size__tile_overlayer_lowered;
	s7 =	simm.s32 $_tile_overlayer_lowered  }
0x9c: {  	s22 =	simm.s32 $0x1BFF;
	s21 =	sshll.u32 s7, $0x1;
	s4 =	sadd.s32 s5, s19  }
0x9d: {  	s8 =	simm.s32 $0x0;
	s20 =	sshll.u32 s6, $0x1;
	s6 =	sadd.s32 s21, s4  }
0x9e: {  	[timem:s8], [sflag:s22] =	dma.local [hbm:s6], s20  }
0x9f: {  	_ =	swait.ge [sflag:s22], s20  }
0xa0: {  	s5 =	ssub.s32 $0x0, s20;
	[sflag:s22] =	ssyncset.done $0x0  }
0xa1: {  	[sflag:s22] =	ssyncadd.s32 s5;
	_ =	sdelay $0x1  }
0xa2: {  	s23 =	simm.s32 $0x1B8B  }
0xa3: {  	_ =	swait.ge [sflag:s23], $0x1  }
0xa4: {  	[sflag:s23] =	ssyncset.done $0x0  }
0xa5: {  	s25 =	simm.s32 $0x1B8E;
	s24 =	sld [smem:$0x3FFE];
	[sflag:s23] =	ssyncadd.s32 $0xFFFFFFFF  }
0xa6: {  	s26 =	simm.s32 $execute0_lowered;
	[smem:$0x3FD2] =	sst s25  }
0xa7: {  	s6 =	sshll.u32 s26, $0x1;
	_ =	strace $0x80000046;
	[dreg:$0x1] =	wrdreg $0xFFFFFFFF  }
0xa8: {  	s28 =	simm.s32 $_size_execute0_lowered;
	s4 =	sadd.s32 s4, s6;
	[dreg:$0x0] =	wrdreg $0x0  }
0xa9: {  	s6 =	sshll.u32 s28, $0x1;
	[dreg:$0x2] =	wrdreg s4  }
0xaa: {  	[dreg:$0x3] =	wrdreg s6  }
0xab: {  	[dreg:$0x4] =	wrdreg $0xC0  }
0xac: {  	_ =	task [dreg:s8], $0x5FFFF  }
0xad: {  	[dreg:$0x1] =	wrdreg $0xFFFFFFFF  }
0xae: {  	[dreg:$0x0] =	wrdreg $0x60  }
0xaf: {  	[dreg:$0x2] =	wrdreg s2  }
0xb0: {  	[dreg:$0x3] =	wrdreg s18  }
0xb1: {  	[dreg:$0x4] =	wrdreg s24  }
0xb2: {  	[dreg:$0x5] =	wrdreg $0x0  }
0xb3: {  	[dreg:$0x6] =	wrdreg $0x9  }
0xb4: {  	_ =	task.clear_ibuf [dreg:s8], $0x7FFFF;
	_ =	strace $0x90000046  }
0xb5: {  	s29 =	simm.s32 $0x9;
	_ =	strace $0x80000048  }
0xb6: {  	_ =	swait.ge [sflag:s29], $0x1  }
0xb7: {  	[sflag:s29] =	ssyncadd.s32 $0xFFFFFFFF  }
0xb8: {  	_ =	strace $0x90000048  }
0xb9: {  	_ =	sfence  }
0xba: {  	s30 =	sld [smem:$0x0];
	_ =	sdelay $0x2  }
0xbb: {  	s31 =	sshll.u32 s1, $0xD;
	s1 =	sshrl.u32 s1, $0x2  }
0xbc: {  	s3 =	sand.u32 $0x4000, s31;
	s1 =	sadd.s32 s1, s30  }
0xbd: {  	s0 =	sor.u32 s3, s0;
	s1 =	sshll.u32 s1, $0x11  }
0xbe: {  	s0 =	sor.u32 s1, s0  }
0xbf: {  	s0 =	sadd.s32 $0x8F2B, s0  }
0xc0: {  	[sflag:s0] =	ssyncadd.remote.s32 $0x1  }
0xc1: {  	_ =	sfence.sel $0xFFFF  }
0xc2: {  	[dreg:$0x0] =	wrdreg $0xFFFFFFFF;
	(pc) =	sbr.abs _section_cstart, $3  }
0xc3: {  	[dreg:$0x1] =	wrdreg $0xFFFFFFFF  }
0xc4: {  	_ =	task.clear_ibuf [dreg:s8], $0x2FFFF;
	_ =	strace $0x9FFFFFFF  }
0xc5: {  	(tm) =	ssettm $0x7FFFFFFF  }
tec
execute0_lowered:
.L_overlay_start_1:
0x0: {  	(tag) =	ssettag $0x1  }
0x1: {  	s9 =	rddreg [dreg:$0x0]  }
0x2: {  	s5 =	rddreg [dreg:$0x1]  }
0x3: {  	s6 =	rddreg [dreg:$0x2]  }
0x4: {  	s1 =	rddreg [dreg:$0x3]  }
0x5: {  	s0 =	rddreg [dreg:$0x4];
	s3 =	simm.s32 $0x0;
	s7 =	srdreg.scid  }
0x6: {  	s2 =	stileid.u32;
	s18 =	simm.s32 $0x1A080;
	s19 =	simm.s32 $0x1  }
0x7: {  	s20 =	simm.s32 $0x1C880;
	s21 =	simm.s32 $0x50;
	[smem:$0x7FF] =	sst s3  }
0x8: {  	s4 =	sadd.s32 $0xC00, s6;
	s8 =	sand.u32 $0x1, s7;
	s11 =	smul.u32 $0x4F000, s2  }
0x9: {  	s22 =	sshll.u32 s2, $0x1;
	s12 =	sadd.s32 $0x3400, s6;
	s14 =	smul.u32 $0x13C00, s2  }
0xa: {  	s15 =	sadd.s32 $0x128400, s1;
	s29 =	smul.u32 $0x4E200, s2;
	p0 =	seq.s32 s2, $0xF  }
0xb: {  	_ =	strace $0x80000047;
	s10 =	ssub.s32 $0x2, s8;
	s26 =	smul.u32 $0x138800, s8  }
0xc: {  	s7 =	sor.u32 s8, s22;
	s17 =	smul.u32 $0x27100, s8;
	s22 =	simm.s32 $0x2  }
0xd: {  	s23 =	sshrl.u32 s10, $0x1;
	s13 =	smul.u32 $0x27100, s7;
	s24 =	sshll.u32 s7, $0xB  }
0xe: {  	s7 =	smul.u32 $0x138800, s7;
	s25 =	sshrl.u32 s11, $0x2;
	s30 =	sadd.s32 s29, s9  }
0xf: {  	s10 =	ssub.s32 s10, s23;
	s5 =	sadd.s32 s5, s24;
	s16 =	sadd.s32 s25, s1  }
0x10: {  	s28 =	sadd.s32 s14, s26;
	s11 =	sshrl.u32 s26, $0x3;
	s31 =	sadd.s32 s17, s30  }
0x11: {  	s14 =	sshrl.u32 @p0 s15, $0x3;
	s15 =	sshll.u32 @!p0 s2, $0x6;
	s17 =	simm.s32 $0x17880  }
0x12: {  	s23 =	simm.s32 $0x3;
	s24 =	simm.s32 $0x17600;
	s25 =	simm.s32 $0x17680  }
0x13: {  	s26 =	simm.s32 $0x0;
	s7 =	sshrl.u32 s7, $0x3;
	s6 =	sadd.s32 s9, s13  }
0x14: {  	s13 =	sshrl.u32 s28, $0x3;
	s11 =	sadd.s32 s12, s11;
	s10 =	smax.u32 s10, $0x1  }
0x15: {  	s15 =	sor.u32 @!p0 $0x1C04, s15;
	s16 =	sshrl.u32 @!p0 s16, $0x3;
	s7 =	sadd.s32 s9, s7  }
0x16: {  	s8 =	sadd.s32 s12, s13;
	s9 =	sadd.s32 $0x25080, s11;
	s11 =	sadd.s32 $0xA00, s31  }
0x17: {  	s12 =	simm.s32 $0x13880;
	s13 =	simm.s32 $0x4;
	s7 =	sadd.s32 $0x500, s7  }
.LBB2_1:
0x18: {  	[tilespmem:s12], [sflag:$0x4] =	stream.linear.gather [hbm4b:s5+s3], $0x3E80, $0x38;
	[tilespmem:$0x1F080] =	vst v63  }
0x19: {  	_ =	swait.ge [sflag:s13], $0x3E80  }
0x1a: {  	[sflag:s13] =	ssyncset.done $0x0  }
0x1b: {  	s28 =	simm.s32 @p0 $0x1FC4;
	[sflag:s13] =	ssyncadd.s32 $0xFFFFC180  }
0x1c: {  	[spmem:s14], [sflag:s28] =	dma.local @p0 [hbm:s4], $0x2080  }
0x1d: {  	s28 =	simm.s32 @p0 $0x4  }
0x1e: {  	_ =	swait.ge @p0 [sflag:s28], $0x2080  }
0x1f: {  	[sflag:s28] =	ssyncset.done @p0 $0x0  }
0x20: {  	[sflag:s28] =	ssyncadd.s32 @p0 $0xFFFFDF80;
	s28 =	simm.s32 @!p0 $0x4  }
0x21: {  	[spmem:s16], [sflag:s15] =	dma.local @!p0 [hbm:s4], $0x2780  }
0x22: {  	_ =	swait.ge @!p0 [sflag:s28], $0x2780  }
0x23: {  	[sflag:s28] =	ssyncset.done @!p0 $0x0  }
0x24: {  	[sflag:s28] =	ssyncadd.s32 @!p0 $0xFFFFD880  }
0x25: {  	[tilespmem:s17], [sflag:$0x1] =	stream.linear.gather [hbm4b:s6+s3], $0x2800, $0x38;
	[tilespmem:$0x1F080] =	vst v63  }
0x26: {  	_ = 	snop  }
0x27: {  	[tilespmem:s18], [sflag:$0x2] =	stream.linear.gather [hbm4b:s7+s3], $0x2800, $0x38;
	[tilespmem:$0x1F080] =	vst v63  }
0x28: {  	[bflag:$0x0] =	sbarrier.arrive $0xFFFF  }
0x29: {  	_ =	swait.ge [sflag:s19], $0x2800  }
0x2a: {  	[sflag:s19] =	ssyncset.done $0x0  }
0x2b: {  	[sflag:s19] =	ssyncadd.s32 $0xFFFFD800  }
0x2c: {  	[tilespmem:s20], [sflag:$0x3] =	stream.linear.gather [hbm4b:s11+s3], $0x2800, $0x38;
	[tilespmem:$0x1F080] =	vst v63  }
0x2d: {  	s28 =	simm.s32 $0x13880  }
0x2e: {  	[spmem:s1] =	stream.indirect.scatter.add.f32 [tilespmem:s17], [sflag:$0x4], $0x80, s28, s21, $0xb8;
	[tilespmem:$0x1F080] =	vst v63  }
0x2f: {  	_ =	swait.ge [sflag:s13], $0x2800  }
0x30: {  	[sflag:s13] =	ssyncset.done $0x0  }
0x31: {  	[sflag:s13] =	ssyncadd.s32 $0xFFFFD800  }
0x32: {  	_ =	swait.ge [sflag:s22], $0x2800  }
0x33: {  	[sflag:s22] =	ssyncset.done $0x0  }
0x34: {  	s28 =	sadd.s32 $0x500, s11;
	[sflag:s22] =	ssyncadd.s32 $0xFFFFD800  }
0x35: {  	[tilespmem:s17], [sflag:$0x1] =	stream.linear.gather [hbm4b:s28+s3], $0x2800, $0x38;
	[tilespmem:$0x1F080] =	vst v63  }
0x36: {  	s28 =	simm.s32 $0x13900  }
0x37: {  	[spmem:s1] =	stream.indirect.scatter.add.f32 [tilespmem:s18], [sflag:$0x4], $0x80, s28, s21, $0xb8;
	[tilespmem:$0x1F080] =	vst v63  }
0x38: {  	_ =	swait.ge [sflag:s13], $0x2800  }
0x39: {  	[sflag:s13] =	ssyncset.done $0x0  }
0x3a: {  	[sflag:s13] =	ssyncadd.s32 $0xFFFFD800  }
0x3b: {  	_ =	swait.ge [sflag:s23], $0x2800  }
0x3c: {  	[sflag:s23] =	ssyncset.done $0x0  }
0x3d: {  	s28 =	sadd.s32 $0xA00, s11;
	[sflag:s23] =	ssyncadd.s32 $0xFFFFD800  }
0x3e: {  	[tilespmem:s18], [sflag:$0x2] =	stream.linear.gather [hbm4b:s28+s3], $0x2800, $0x38;
	[tilespmem:$0x1F080] =	vst v63  }
0x3f: {  	s28 =	simm.s32 $0x13980  }
0x40: {  	[spmem:s1] =	stream.indirect.scatter.add.f32 [tilespmem:s20], [sflag:$0x4], $0x80, s28, s21, $0xb8;
	[tilespmem:$0x1F080] =	vst v63  }
0x41: {  	_ =	swait.ge [sflag:s13], $0x2800  }
0x42: {  	s29 =	smov.u32 s11;
	s28 =	simm.s32 $0x600;
	[sflag:s13] =	ssyncset.done $0x0  }
.LBB2_2:
0x43: {  	p1 =	sne.s32 s28, $0xF000;
	[sflag:s13] =	ssyncadd.s32 $0xFFFFD800;
	s29 =	sadd.s32 $0xF00, s29  }
0x44: {  	s30 =	smov.u32 s28;
	s28 =	sadd.s32 $0x600, s28  }
0x45: {  	_ =	swait.ge [sflag:s19], $0x2800  }
0x46: {  	[sflag:s19] =	ssyncset.done $0x0  }
0x47: {  	s30 =	sshra.s32 s30, $0x2;
	[sflag:s19] =	ssyncadd.s32 $0xFFFFD800  }
0x48: {  	[tilespmem:s20], [sflag:$0x3] =	stream.linear.gather [hbm4b:s29+s3], $0x2800, $0x38;
	[tilespmem:$0x1F080] =	vst v63  }
0x49: {  	s31 =	sadd.s32 $0x13880, s30  }
0x4a: {  	[spmem:s1] =	stream.indirect.scatter.add.f32 [tilespmem:s17], [sflag:$0x4], $0x80, s31, s21, $0xb8;
	[tilespmem:$0x1F080] =	vst v63  }
0x4b: {  	_ =	swait.ge [sflag:s13], $0x2800  }
0x4c: {  	[sflag:s13] =	ssyncset.done $0x0  }
0x4d: {  	[sflag:s13] =	ssyncadd.s32 $0xFFFFD800  }
0x4e: {  	_ =	swait.ge [sflag:s22], $0x2800  }
0x4f: {  	[sflag:s22] =	ssyncset.done $0x0  }
0x50: {  	s31 =	sadd.s32 $0x500, s29;
	[sflag:s22] =	ssyncadd.s32 $0xFFFFD800  }
0x51: {  	[tilespmem:s17], [sflag:$0x1] =	stream.linear.gather [hbm4b:s31+s3], $0x2800, $0x38;
	[tilespmem:$0x1F080] =	vst v63  }
0x52: {  	s31 =	sadd.s32 $0x13900, s30  }
0x53: {  	[spmem:s1] =	stream.indirect.scatter.add.f32 [tilespmem:s18], [sflag:$0x4], $0x80, s31, s21, $0xb8;
	[tilespmem:$0x1F080] =	vst v63  }
0x54: {  	_ =	swait.ge [sflag:s13], $0x2800  }
0x55: {  	[sflag:s13] =	ssyncset.done $0x0  }
0x56: {  	[sflag:s13] =	ssyncadd.s32 $0xFFFFD800  }
0x57: {  	_ =	swait.ge [sflag:s23], $0x2800  }
0x58: {  	[sflag:s23] =	ssyncset.done $0x0  }
0x59: {  	s31 =	sadd.s32 $0xA00, s29;
	[sflag:s23] =	ssyncadd.s32 $0xFFFFD800  }
0x5a: {  	[tilespmem:s18], [sflag:$0x2] =	stream.linear.gather [hbm4b:s31+s3], $0x2800, $0x38;
	[tilespmem:$0x1F080] =	vst v63  }
.Ltmp0:
0x5b: {  	_ = 	snop;
	(pc) =	sbr.rel @p1 .LBB2_2-.Ltmp0, $4  }
0x5c: {  	s30 =	sadd.s32 $0x13980, s30  }
0x5d: {  	[spmem:s1] =	stream.indirect.scatter.add.f32 [tilespmem:s20], [sflag:$0x4], $0x80, s30, s21, $0xb8;
	[tilespmem:$0x1F080] =	vst v63  }
0x5e: {  	_ =	swait.ge [sflag:s13], $0x2800  }
0x5f: {  	[sflag:s13] =	ssyncset.done $0x0  }
0x60: {  	[sflag:s13] =	ssyncadd.s32 $0xFFFFD800  }
0x61: {  	_ =	swait.ge [sflag:s19], $0x2800  }
0x62: {  	[sflag:s19] =	ssyncset.done $0x0  }
0x63: {  	[sflag:s19] =	ssyncadd.s32 $0xFFFFD800  }
0x64: {  	[spmem:s1] =	stream.indirect.scatter.add.f32 [tilespmem:s17], [sflag:$0x4], $0x80, s24, s21, $0xb8;
	[tilespmem:$0x1F080] =	vst v63  }
0x65: {  	_ =	swait.ge [sflag:s13], $0x2800  }
0x66: {  	[sflag:s13] =	ssyncset.done $0x0  }
0x67: {  	[sflag:s13] =	ssyncadd.s32 $0xFFFFD800  }
0x68: {  	_ =	swait.ge [sflag:s22], $0x2800  }
0x69: {  	[sflag:s22] =	ssyncset.done $0x0  }
0x6a: {  	[sflag:s22] =	ssyncadd.s32 $0xFFFFD800  }
0x6b: {  	[spmem:s1] =	stream.indirect.scatter.add.f32 [tilespmem:s18], [sflag:$0x4], $0x80, s25, s21, $0xb8;
	[tilespmem:$0x1F080] =	vst v63  }
0x6c: {  	_ =	swait.ge [sflag:s13], $0x2800  }
0x6d: {  	[sflag:s13] =	ssyncset.done $0x0  }
0x6e: {  	[sflag:s13] =	ssyncadd.s32 $0xFFFFD800  }
0x6f: {  	s28 =	simm.s32 @p0 $0x1FC4;
	[bflag:$0x0] =	sbarrier.arrive $0xFFFF  }
0x70: {  	[hbm:s9], [sflag:s28] =	dma.local @p0 [spmem:s14], $0x2080  }
0x71: {  	s28 =	simm.s32 @p0 $0x4  }
0x72: {  	s26 =	sadd.s32 $0x1, s26;
	_ =	swait.ge @p0 [sflag:s28], $0x2080  }
0x73: {  	p1 =	sne.s32 s26, s10;
	[sflag:s28] =	ssyncset.done @p0 $0x0  }
.Ltmp1:
0x74: {  	[sflag:s28] =	ssyncadd.s32 @p0 $0xFFFFDF80;
	s28 =	simm.s32 @!p0 $0x4;
	(pc) =	sbr.rel @p1 .LBB2_1-.Ltmp1, $4  }
0x75: {  	[hbm:s8], [sflag:s15] =	dma.local @!p0 [spmem:s16], $0x2780  }
0x76: {  	_ =	swait.ge @!p0 [sflag:s28], $0x2780  }
0x77: {  	[sflag:s28] =	ssyncset.done @!p0 $0x0  }
0x78: {  	[sflag:s28] =	ssyncadd.s32 @!p0 $0xFFFFD880  }
0x79: {  	_ =	sfence.sel $0x180000  }
0x7a: {  	[bflag:$0x0] =	sbarrier.arrive $0xFFFF  }
0x7b: {  	p0 =	sne.s32 s2, $0x0;
	_ =	strace $0x90000047  }
0x7c: {  	s0 =	sadd.s32 @!p0 $0x100000, s0;
	[bflag:$0x2] =	sbarrier.arrive $0xFFFF  }
0x7d: {  	[sflag:s0] =	ssyncadd.tile.s32 @!p0 $0x1;
	_ =	shalt  }
.Lfunc_end2:
_tile_overlayer_lowered:
.L_overlay_start_2:
0x7e: {  	(tag) =	ssettag $0x2  }
0x7f: {  	s0 =	rddreg [dreg:$0x0];
	s2 =	stileid.u32  }
0x80: {  	s1 =	rddreg [dreg:$0x1];
	p0 =	sne.s32 s2, $0x0  }
0x81: {  	s3 =	rddreg [dreg:$0x2];
	[bflag:$0x3] =	sbarrier.arrive $0xFFFF;
	s2 =	simm.s32 @!p0 $0x1C04  }
0x82: {  	[timem:s3], [sflag:s2] =	dma.local @!p0 [hbm:s0], s1  }
0x83: {  	s0 =	simm.s32 @!p0 $0x4  }
0x84: {  	_ =	swait.ge @!p0 [sflag:s0], s1  }
0x85: {  	s1 =	ssub.s32 @!p0 $0x0, s1;
	[sflag:s0] =	ssyncset.done @!p0 $0x0  }
0x86: {  	[sflag:s0] =	ssyncadd.s32 @!p0 s1  }
0x87: {  	[bflag:$0x3] =	sbarrier.arrive $0xFFFF  }
0x88: {  	_ =	shalt  }

</sc_bundles>
